<compile_context>
chip_gen: v7x
topology: tpu7x:2x2x1
jax: 0.10.2.dev20260603
libtpu: 0.0.44.dev20260713+nightly
codegen_flags: <defaults>
</compile_context>

<pallas_src>
import jax
import jax.numpy as jnp
from jax.experimental import pallas as pl
from jax.experimental.pallas import tpu as pltpu

B = 16
C = 256
BC = B * C
S_TOTAL = 5440
S_TILE = 512


def _kern0(f0, emb, out_ref):
    out_ref[...] = f0[...].T + emb[0][None, :]


def _kern1(f1, f2, f3, emb, prev, out_ref):
    i = pl.program_id(0)

    @pl.when(i < 2)
    def _():
        out_ref[...] = f1[...].T + emb[1][None, :]

    @pl.when(i == 2)
    def _():
        out_ref[0:256, :] = f2[...].T + emb[2][None, :]
        out_ref[256:320, :] = f3[...].T + emb[3][None, :]


def kernel(feats_0, feats_1, feats_2, feats_3, level_start_idx, spatial_shapes, embed_weight):
    f0 = feats_0.reshape(BC, 4096)
    f1 = feats_1.reshape(BC, 1024)
    f2 = feats_2.reshape(BC, 256)
    f3 = feats_3.reshape(BC, 64)
    emb_bc = jnp.tile(embed_weight, (1, B))
    part = pl.pallas_call(
        _kern0,
        grid=(8,),
        in_specs=[
            pl.BlockSpec((BC, S_TILE), lambda i: (0, i)),
            pl.BlockSpec((4, BC), lambda i: (0, 0)),
        ],
        out_specs=pl.BlockSpec((S_TILE, BC), lambda i: (i, 0)),
        out_shape=jax.ShapeDtypeStruct((S_TOTAL, BC), jnp.float32),
        compiler_params=pltpu.CompilerParams(
            dimension_semantics=("parallel",),
            vmem_limit_bytes=110 * 1024 * 1024,
        ),
    )(f0, emb_bc)
    out = pl.pallas_call(
        _kern1,
        grid=(3,),
        in_specs=[
            pl.BlockSpec((BC, S_TILE), lambda i: (0, jnp.clip(i, 0, 1))),
            pl.BlockSpec((BC, 256), lambda i: (0, 0)),
            pl.BlockSpec((BC, 64), lambda i: (0, 0)),
            pl.BlockSpec((4, BC), lambda i: (0, 0)),
            pl.BlockSpec((8, 128), lambda i: (0, 0)),
        ],
        out_specs=pl.BlockSpec((S_TILE, BC), lambda i: (i + 8, 0)),
        out_shape=jax.ShapeDtypeStruct((S_TOTAL, BC), jnp.float32),
        input_output_aliases={4: 0},
        compiler_params=pltpu.CompilerParams(
            dimension_semantics=("arbitrary",),
            vmem_limit_bytes=110 * 1024 * 1024,
        ),
    )(f1, f2, f3, emb_bc, part)
    return out.reshape(S_TOTAL, B, C)

# --- scband reference (transcript-rebuilt; emitter-appended) ---
"""Pipeline reference for scband-level-embed-20572893348053 (READ-ONLY COPY).

The authoritative reference and input builder live on the scoring server;
editing this copy changes nothing except your own understanding.
"""

import jax, jax.numpy as jnp
import numpy as np

B = 16
C = 256
LEVEL_SHAPES = [(64, 64), (32, 32), (16, 16), (8, 8)]
NUM_LEVELS = 4


def setup_inputs(seed: int = 0) -> dict:
    key = jax.random.key(seed)
    ks = jax.random.split(key, NUM_LEVELS + 1)
    inp = {}
    for i, (h, w) in enumerate(LEVEL_SHAPES):
        inp[f"feats_{i}"] = jax.random.normal(ks[i], (B, C, h, w), dtype=jnp.float32)
    starts = np.cumsum([0] + [h * w for (h, w) in LEVEL_SHAPES])[:NUM_LEVELS]
    inp["level_start_idx"] = jnp.asarray(starts, dtype=jnp.int32)
    inp["spatial_shapes"] = jnp.asarray(LEVEL_SHAPES, dtype=jnp.int32)
    # learned embedding table: nn.Embedding(num_levels, d_model).weight ~ N(0, 1)
    inp["embed_weight"] = jax.random.normal(ks[NUM_LEVELS], (NUM_LEVELS, C), dtype=jnp.float32)
    return inp


def reference(feats_0, feats_1, feats_2, feats_3, level_start_idx, spatial_shapes, embed_weight):
    feats = [feats_0, feats_1, feats_2, feats_3]
    out_parts = []
    for lvl, feat in enumerate(feats):
        b, c, h, w = feat.shape
        # feat.flatten(2).permute(2, 0, 1) -> (H*W, B, C)
        flat = feat.reshape(b, c, h * w).transpose(2, 0, 1)
        flat = flat + embed_weight[lvl][None, None, :]
        out_parts.append(flat)
    return jnp.concatenate(out_parts, axis=0)

if __name__ == "__main__":
    import jax
    _d = setup_inputs()
    print(jax.jit(kernel)(*tuple(_d.values())))

</pallas_src>

<mosaic_0001>
module attributes {stable_mosaic.version = 14 : i64} {
  func.func @_kern0(%arg0: i32, %arg1: memref<4096x512xf32, #tpu.memory_space<vmem>>, %arg2: memref<4x4096xf32, #tpu.memory_space<vmem>>, %arg3: memref<512x4096xf32, #tpu.memory_space<vmem>>) attributes {dimension_semantics = [#tpu.dimension_semantics<parallel>], iteration_bounds = array<i64: 8>, scalar_prefetch = 0 : i64, scratch_operands = 0 : i64, tpu.core_type = #tpu.core_type<tc>, window_params = [{transform_indices = @transform_0, window_bounds = array<i64: 4096, 512>}, {pipeline_mode = #tpu.pipeline_mode<synchronous>, transform_indices = @transform_1, window_bounds = array<i64: 4, 4096>}, {transform_indices = @transform_2, window_bounds = array<i64: 512, 4096>}]} {
    %get3A = arith.constant 0 : index
    %get3A_0 = arith.constant 0 : index
    %get3A_1 = vector.load %arg1[%get3A, %get3A_0] : memref<4096x512xf32, #tpu.memory_space<vmem>>, vector<4096x512xf32>
    %transpose3A = tpu.transpose %get3A_1, [1, 0] : vector<4096x512xf32> -> vector<512x4096xf32>
    %get3A_2 = arith.constant 0 : index
    %get3A_3 = arith.constant 0 : index
    %get3A_4 = vector.load %arg2[%get3A_2, %get3A_3] : memref<4x4096xf32, #tpu.memory_space<vmem>>, vector<1x4096xf32>
    %get3A_5 = vector.shape_cast %get3A_4 : vector<1x4096xf32> to vector<4096xf32>
    %broadcast_in_dim3A = vector.shape_cast %get3A_5 : vector<4096xf32> to vector<1x4096xf32>
    %add3A = vector.broadcast %broadcast_in_dim3A : vector<1x4096xf32> to vector<512x4096xf32>
    %add3A_6 = arith.addf %transpose3A, %add3A : vector<512x4096xf32>
    %swap3A = arith.constant 0 : index
    %swap3A_7 = arith.constant 0 : index
    %swap3A_8 = vector.load %arg3[%swap3A, %swap3A_7] : memref<512x4096xf32, #tpu.memory_space<vmem>>, vector<512x4096xf32>
    tpu.vector_store %arg3[%swap3A, %swap3A_7], %add3A_6 {strides = array<i32>} : memref<512x4096xf32, #tpu.memory_space<vmem>>, vector<512x4096xf32>,
    return
  }
  func.func @transform_0(%arg0: i32) -> (i32, i32) {
    %c0_i32 = arith.constant 0 : i32
    %c0_i32_0 = arith.constant 0 : i32
    return %c0_i32, %arg0 : i32, i32
  }
  func.func @transform_1(%arg0: i32) -> (i32, i32) {
    %c0_i32 = arith.constant 0 : i32
    %c0_i32_0 = arith.constant 0 : i32
    %c0_i32_1 = arith.constant 0 : i32
    return %c0_i32, %c0_i32_0 : i32, i32
  }
  func.func @transform_2(%arg0: i32) -> (i32, i32) {
    %c0_i32 = arith.constant 0 : i32
    %c0_i32_0 = arith.constant 0 : i32
    return %arg0, %c0_i32 : i32, i32
  }
}

module attributes {stable_mosaic.version = 14 : i64} {
  func.func @_kern1(%arg0: i32, %arg1: memref<4096x512xf32, #tpu.memory_space<vmem>>, %arg2: memref<4096x256xf32, #tpu.memory_space<vmem>>, %arg3: memref<4096x64xf32, #tpu.memory_space<vmem>>, %arg4: memref<4x4096xf32, #tpu.memory_space<vmem>>, %arg5: memref<8x128xf32, #tpu.memory_space<vmem>>, %arg6: memref<512x4096xf32, #tpu.memory_space<vmem>>) attributes {dimension_semantics = [#tpu.dimension_semantics<arbitrary>], iteration_bounds = array<i64: 3>, scalar_prefetch = 0 : i64, scratch_operands = 0 : i64, tpu.core_type = #tpu.core_type<tc>, window_params = [{transform_indices = @transform_0, window_bounds = array<i64: 4096, 512>}, {pipeline_mode = #tpu.pipeline_mode<synchronous>, transform_indices = @transform_1, window_bounds = array<i64: 4096, 256>}, {pipeline_mode = #tpu.pipeline_mode<synchronous>, transform_indices = @transform_2, window_bounds = array<i64: 4096, 64>}, {pipeline_mode = #tpu.pipeline_mode<synchronous>, transform_indices = @transform_3, window_bounds = array<i64: 4, 4096>}, {transform_indices = @transform_4, window_bounds = array<i64: 8, 128>}, {transform_indices = @transform_5, window_bounds = array<i64: 512, 4096>}]} {
    %lt3A = arith.constant 2 : i32
    %lt3A_0 = arith.cmpi slt, %arg0, %lt3A : i32
    %convert_element_type3A = arith.extui %lt3A_0 : i1 to i32
    %cond3A = arith.constant 0 : i32
    %cond3A_1 = arith.cmpi ne, %convert_element_type3A, %cond3A : i32
    scf.if %cond3A_1 {
      %get3A = arith.constant 0 : index
      %get3A_6 = arith.constant 0 : index
      %get3A_7 = vector.load %arg1[%get3A, %get3A_6] : memref<4096x512xf32, #tpu.memory_space<vmem>>, vector<4096x512xf32>
      %transpose3A = tpu.transpose %get3A_7, [1, 0] : vector<4096x512xf32> -> vector<512x4096xf32>
      %get3A_8 = arith.constant 1 : index
      %get3A_9 = arith.constant 0 : index
      %get3A_10 = vector.load %arg4[%get3A_8, %get3A_9] : memref<4x4096xf32, #tpu.memory_space<vmem>>, vector<1x4096xf32>
      %get3A_11 = vector.shape_cast %get3A_10 : vector<1x4096xf32> to vector<4096xf32>
      %broadcast_in_dim3A = vector.shape_cast %get3A_11 : vector<4096xf32> to vector<1x4096xf32>
      %add3A = vector.broadcast %broadcast_in_dim3A : vector<1x4096xf32> to vector<512x4096xf32>
      %add3A_12 = arith.addf %transpose3A, %add3A : vector<512x4096xf32>
      %swap3A = arith.constant 0 : index
      %swap3A_13 = arith.constant 0 : index
      %swap3A_14 = vector.load %arg6[%swap3A, %swap3A_13] : memref<512x4096xf32, #tpu.memory_space<vmem>>, vector<512x4096xf32>
      tpu.vector_store %arg6[%swap3A, %swap3A_13], %add3A_12 {strides = array<i32>} : memref<512x4096xf32, #tpu.memory_space<vmem>>, vector<512x4096xf32>,
    } else {
    }
    %eq3A = arith.constant 2 : i32
    %eq3A_2 = arith.cmpi eq, %arg0, %eq3A : i32
    %convert_element_type3A_3 = arith.extui %eq3A_2 : i1 to i32
    %cond3A_4 = arith.constant 0 : i32
    %cond3A_5 = arith.cmpi ne, %convert_element_type3A_3, %cond3A_4 : i32
    scf.if %cond3A_5 {
      %get3A = arith.constant 0 : index
      %get3A_6 = arith.constant 0 : index
      %get3A_7 = vector.load %arg2[%get3A, %get3A_6] : memref<4096x256xf32, #tpu.memory_space<vmem>>, vector<4096x256xf32>
      %transpose3A = tpu.transpose %get3A_7, [1, 0] : vector<4096x256xf32> -> vector<256x4096xf32>
      %get3A_8 = arith.constant 2 : index
      %get3A_9 = arith.constant 0 : index
      %get3A_10 = vector.load %arg4[%get3A_8, %get3A_9] : memref<4x4096xf32, #tpu.memory_space<vmem>>, vector<1x4096xf32>
      %get3A_11 = vector.shape_cast %get3A_10 : vector<1x4096xf32> to vector<4096xf32>
      %broadcast_in_dim3A = vector.shape_cast %get3A_11 : vector<4096xf32> to vector<1x4096xf32>
      %add3A = vector.broadcast %broadcast_in_dim3A : vector<1x4096xf32> to vector<256x4096xf32>
      %add3A_12 = arith.addf %transpose3A, %add3A : vector<256x4096xf32>
      %swap3A = arith.constant 0 : index
      %swap3A_13 = arith.constant 0 : index
      %swap3A_14 = vector.load %arg6[%swap3A, %swap3A_13] : memref<512x4096xf32, #tpu.memory_space<vmem>>, vector<256x4096xf32>
      tpu.vector_store %arg6[%swap3A, %swap3A_13], %add3A_12 {strides = array<i32>} : memref<512x4096xf32, #tpu.memory_space<vmem>>, vector<256x4096xf32>,
      %get3A_15 = arith.constant 0 : index
      %get3A_16 = arith.constant 0 : index
      %get3A_17 = vector.load %arg3[%get3A_15, %get3A_16] : memref<4096x64xf32, #tpu.memory_space<vmem>>, vector<4096x64xf32>
      %transpose3A_18 = tpu.transpose %get3A_17, [1, 0] : vector<4096x64xf32> -> vector<64x4096xf32>
      %get3A_19 = arith.constant 3 : index
      %get3A_20 = arith.constant 0 : index
      %get3A_21 = vector.load %arg4[%get3A_19, %get3A_20] : memref<4x4096xf32, #tpu.memory_space<vmem>>, vector<1x4096xf32>
      %get3A_22 = vector.shape_cast %get3A_21 : vector<1x4096xf32> to vector<4096xf32>
      %broadcast_in_dim3A_23 = vector.shape_cast %get3A_22 : vector<4096xf32> to vector<1x4096xf32>
      %add3A_24 = vector.broadcast %broadcast_in_dim3A_23 : vector<1x4096xf32> to vector<64x4096xf32>
      %add3A_25 = arith.addf %transpose3A_18, %add3A_24 : vector<64x4096xf32>
      %swap3A_26 = arith.constant 256 : index
      %swap3A_27 = arith.constant 0 : index
      %swap3A_28 = vector.load %arg6[%swap3A_26, %swap3A_27] : memref<512x4096xf32, #tpu.memory_space<vmem>>, vector<64x4096xf32>
      tpu.vector_store %arg6[%swap3A_26, %swap3A_27], %add3A_25 {strides = array<i32>} : memref<512x4096xf32, #tpu.memory_space<vmem>>, vector<64x4096xf32>,
    } else {
    }
    return
  }
  func.func @transform_0(%arg0: i32) -> (i32, i32) {
    %jit3A = arith.constant 0 : i32
    %jit3A_0 = arith.constant 1 : i32
    %max3A = arith.maxsi %jit3A, %arg0 : i32
    %min3A = arith.minsi %jit3A_0, %max3A : i32
    %c0_i32 = arith.constant 0 : i32
    %c0_i32_1 = arith.constant 0 : i32
    return %c0_i32, %min3A : i32, i32
  }
  func.func @transform_1(%arg0: i32) -> (i32, i32) {
    %c0_i32 = arith.constant 0 : i32
    %c0_i32_0 = arith.constant 0 : i32
    %c0_i32_1 = arith.constant 0 : i32
    return %c0_i32, %c0_i32_0 : i32, i32
  }
  func.func @transform_2(%arg0: i32) -> (i32, i32) {
    %c0_i32 = arith.constant 0 : i32
    %c0_i32_0 = arith.constant 0 : i32
    %c0_i32_1 = arith.constant 0 : i32
    return %c0_i32, %c0_i32_0 : i32, i32
  }
  func.func @transform_3(%arg0: i32) -> (i32, i32) {
    %c0_i32 = arith.constant 0 : i32
    %c0_i32_0 = arith.constant 0 : i32
    %c0_i32_1 = arith.constant 0 : i32
    return %c0_i32, %c0_i32_0 : i32, i32
  }
  func.func @transform_4(%arg0: i32) -> (i32, i32) {
    %c0_i32 = arith.constant 0 : i32
    %c0_i32_0 = arith.constant 0 : i32
    %c0_i32_1 = arith.constant 0 : i32
    return %c0_i32, %c0_i32_0 : i32, i32
  }
  func.func @transform_5(%arg0: i32) -> (i32, i32) {
    %add3A = arith.constant 8 : i32
    %add3A_0 = arith.addi %arg0, %add3A : i32
    %c0_i32 = arith.constant 0 : i32
    %c0_i32_1 = arith.constant 0 : i32
    return %add3A_0, %c0_i32 : i32, i32
  }
}

</mosaic_0001>

<sc_bundles>
// kernel: sparse-core-data-format-call.1.cloned.1.call-start
scs
called_computation.1_lowered:
.L_overlay_start_0:
0x0: {  	s2 =	sld [smem:$0x3FD9]  }
0x1: {  	s3 =	sld [smem:$0x3FFE];
	_ =	sdelay $0x1  }
0x2: {  	s1 =	srdreg.scid  }
0x3: {  	s0 =	sand.u32 $0x1, s1  }
0x4: {  	s18 =	sshll.u32 s0, $0xA;
	s2 =	sadd.s32 s3, s2  }
0x5: {  	s2 =	sadd.s32 s2, s18  }
0x6: {  	[smem:$0x3FC3] =	sst s2  }
0x7: {  	_ = 	snop  }
0x8: {  	s2 =	sld [smem:$0x3FC9];
	(tm) =	ssettm $0x1  }
0x9: {  	s19 =	sld [smem:$0x3FFB];
	_ =	sdelay $0x3  }
0xa: {  	_ =	strace s19  }
0xb: {  	s3 =	sld [smem:$0x3FFC];
	_ =	sdelay $0x3  }
0xc: {  	_ =	strace s3  }
0xd: {  	s3 =	sld [smem:$0x3FFD];
	_ =	sdelay $0x3  }
0xe: {  	_ =	strace s3  }
0xf: {  	_ =	strace $0x8FFFFFFF  }
0x10: {  	s20 =	sld [smem:$0x3FDB];
	_ =	sdelay $0x1  }
0x11: {  	s4 =	simm.s32 $_scs_section_size  }
0x12: {  	s5 =	simm.s32 $_size__tile_overlayer_lowered;
	s6 =	simm.s32 $_tile_overlayer_lowered  }
0x13: {  	s23 =	simm.s32 $0x1BFF;
	s22 =	sshll.u32 s6, $0x1;
	s3 =	sadd.s32 s4, s20  }
0x14: {  	s7 =	simm.s32 $0x0;
	s21 =	sshll.u32 s5, $0x1;
	s5 =	sadd.s32 s22, s3  }
0x15: {  	[timem:s7], [sflag:s23] =	dma.local [hbm:s5], s21  }
0x16: {  	_ =	swait.ge [sflag:s23], s21  }
0x17: {  	s4 =	ssub.s32 $0x0, s21;
	[sflag:s23] =	ssyncset.done $0x0  }
0x18: {  	[sflag:s23] =	ssyncadd.s32 s4;
	_ =	sdelay $0x1  }
0x19: {  	s24 =	simm.s32 $0x1B8B  }
0x1a: {  	_ =	swait.ge [sflag:s24], $0x1  }
0x1b: {  	[sflag:s24] =	ssyncset.done $0x0  }
0x1c: {  	s26 =	simm.s32 $0x1B8E;
	s25 =	sld [smem:$0x3FFE];
	[sflag:s24] =	ssyncadd.s32 $0xFFFFFFFF  }
0x1d: {  	s27 =	simm.s32 $execute0_lowered;
	[smem:$0x3FD2] =	sst s26  }
0x1e: {  	s5 =	sshll.u32 s27, $0x1;
	_ =	strace $0x80000046;
	[dreg:$0x1] =	wrdreg $0xFFFFFFFF  }
0x1f: {  	s28 =	simm.s32 $_size_execute0_lowered;
	s3 =	sadd.s32 s3, s5;
	[dreg:$0x0] =	wrdreg $0x0  }
0x20: {  	s5 =	sshll.u32 s28, $0x1;
	[dreg:$0x2] =	wrdreg s3  }
0x21: {  	[dreg:$0x3] =	wrdreg s5  }
0x22: {  	[dreg:$0x4] =	wrdreg $0xC0  }
0x23: {  	_ =	task [dreg:s7], $0x5FFFF  }
0x24: {  	[dreg:$0x1] =	wrdreg $0xFFFFFFFF  }
0x25: {  	[dreg:$0x0] =	wrdreg $0x60  }
0x26: {  	[dreg:$0x2] =	wrdreg s2  }
0x27: {  	[dreg:$0x3] =	wrdreg s25  }
0x28: {  	[dreg:$0x4] =	wrdreg $0x9  }
0x29: {  	_ =	task.clear_ibuf [dreg:s7], $0x5FFFF;
	_ =	strace $0x90000046  }
0x2a: {  	s29 =	simm.s32 $0x9;
	_ =	strace $0x80000048  }
0x2b: {  	_ =	swait.ge [sflag:s29], $0x1  }
0x2c: {  	[sflag:s29] =	ssyncadd.s32 $0xFFFFFFFF  }
0x2d: {  	_ =	strace $0x90000048  }
0x2e: {  	_ =	sfence  }
0x2f: {  	s30 =	sld [smem:$0x0];
	_ =	sdelay $0x2  }
0x30: {  	s31 =	sshll.u32 s1, $0xD;
	s1 =	sshrl.u32 s1, $0x2  }
0x31: {  	s3 =	sand.u32 $0x4000, s31;
	s1 =	sadd.s32 s1, s30  }
0x32: {  	s0 =	sor.u32 s3, s0;
	s1 =	sshll.u32 s1, $0x11  }
0x33: {  	s0 =	sor.u32 s1, s0  }
0x34: {  	s0 =	sadd.s32 $0x8F2B, s0  }
0x35: {  	[sflag:s0] =	ssyncadd.remote.s32 $0x1  }
0x36: {  	_ =	sfence.sel $0xFFFF  }
0x37: {  	[dreg:$0x0] =	wrdreg $0xFFFFFFFF;
	(pc) =	sbr.abs _section_cstart, $3  }
0x38: {  	[dreg:$0x1] =	wrdreg $0xFFFFFFFF  }
0x39: {  	_ =	task.clear_ibuf [dreg:s7], $0x2FFFF;
	_ =	strace $0x9FFFFFFF  }
0x3a: {  	(tm) =	ssettm $0x7FFFFFFF  }
0x3b: {  	_ =	shalt  }
tec
execute0_lowered:
.L_overlay_start_1:
0x0: {  	(tag) =	ssettag $0x1  }
0x1: {  	s2 =	rddreg [dreg:$0x0]  }
0x2: {  	s1 =	rddreg [dreg:$0x1]  }
0x3: {  	s3 =	srdreg.scid;
	s0 =	rddreg [dreg:$0x2]  }
0x4: {  	_ =	strace $0x80000047;
	s5 =	simm.s32 $0x1;
	s8 =	simm.s32 $0x2  }
0x5: {  	s13 =	simm.s32 $0x0;
	p0 =	por $0x0, $0x0;
	s9 =	simm.s32 $0x2000  }
.Ltmp0:
0x6: {  	s14 =	simm.s32 $0x0;
	s3 =	sand.u32 $0x1, s3;
	(pc) =	sbr.rel .LBB1_1-.Ltmp0, $4  }
0x7: {  	s11 =	stileid.u32;
	s12 =	simm.s32 $0x0;
	s6 =	ssub.s32 $0x40, s3  }
0x8: {  	s4 =	sadd.s32 $0x1000, s1;
	[sflag:s5] =	ssyncpa.u1 $0x0;
	s7 =	sshrl.u32 s6, $0x1  }
0x9: {  	s1 =	stileid.u32;
	[sflag:s8] =	ssyncpa.u1 $0x0;
	s6 =	ssub.s32 s6, s7  }
0xa: {  	s8 =	simm.s32 $0x40;
	s10 =	smov.u32 s3;
	s7 =	sadd.s32 $0x1, s6  }
.LBB1_4:
0xb: {  	_ = 	snop  }
0xc: {  	[tilespmem:s19+$0x1860 ss:$0x41] =	vst.msk $0xffff, v8  }
0xd: {  	[tilespmem:s19+$0x1C70 ss:$0x41] =	vst.msk $0xffff, v7  }
0xe: {  	[tilespmem:s19+$0x2490 ss:$0x41] =	vst.msk $0xffff, v1  }
0xf: {  	s22 =	sor.u32 s25, s24;
	v47 =	vld.idx.msk [tilespmem:v0+s17+$0x470 ss:$0x1], $0xffff;
	[tilespmem:s19+$0x28A0 ss:$0x41] =	vst.msk $0xffff, v2  }
0x10: {  	[tilespmem:s19+$0x2CB0 ss:$0x41] =	vst.msk $0xffff, v3;
	v57 =	vld.idx.msk [tilespmem:v0+s22+$0x410 ss:$0x1], $0xffff  }
0x11: {  	[tilespmem:s19+$0x30C0 ss:$0x41] =	vst.msk $0xffff, v4;
	v58 =	vld.idx.msk [tilespmem:v0+s22+$0x420 ss:$0x1], $0xffff  }
0x12: {  	[tilespmem:s19+$0x34D0 ss:$0x41] =	vst.msk $0xffff, v5;
	v59 =	vld.idx.msk [tilespmem:v0+s22+$0x430 ss:$0x1], $0xffff  }
0x13: {  	s31 =	sshra.s32 s20, $0x2;
	[tilespmem:s19+$0x38E0 ss:$0x41] =	vst.msk $0xffff, v6;
	v60 =	vld.idx.msk [tilespmem:v0+s22+$0x440 ss:$0x1], $0xffff  }
0x14: {  	s23 =	sand.u32 $0x3B00, s22;
	s17 =	sadd.s32 s31, s18;
	v61 =	vld.idx.msk [tilespmem:v0+s22+$0x450 ss:$0x1], $0xffff;
	[tilespmem:s19+$0x3CF0 ss:$0x41] =	vst.msk $0xffff, v47  }
0x15: {  	s21 =	sand.u32 $0x80, s21;
	v62 =	vld.idx.msk [tilespmem:v0+s22+$0x460 ss:$0x1], $0xffff;
	s16 =	sadd.s32 s23, s16;
	[tilespmem:s17+$0x2490 ss:$0x41] =	vst.msk $0xffff, v57  }
0x16: {  	v63 =	vld.idx.msk [tilespmem:v0+s22+$0x470 ss:$0x1], $0xffff;
	s16 =	sadd.s32 s21, s16;
	[tilespmem:s17+$0x28A0 ss:$0x41] =	vst.msk $0xffff, v58  }
0x17: {  	v48 =	vld [tilespmem:s16+$0x400];
	[tilespmem:s17+$0x2CB0 ss:$0x41] =	vst.msk $0xffff, v59  }
0x18: {  	v49 =	vld [tilespmem:s16+$0x0];
	[tilespmem:s17+$0x30C0 ss:$0x41] =	vst.msk $0xffff, v60  }
0x19: {  	v50 =	vld [tilespmem:s16+$0x10];
	[tilespmem:s17+$0x34D0 ss:$0x41] =	vst.msk $0xffff, v61  }
0x1a: {  	v51 =	vld [tilespmem:s16+$0x20];
	[tilespmem:s17+$0x38E0 ss:$0x41] =	vst.msk $0xffff, v62  }
0x1b: {  	v52 =	vld [tilespmem:s16+$0x30];
	[tilespmem:s17+$0x3CF0 ss:$0x41] =	vst.msk $0xffff, v63  }
0x1c: {  	v53 =	vld [tilespmem:s16+$0x40];
	[tilespmem:s17+$0x2080 ss:$0x41] =	vst.msk $0xffff, v48  }
0x1d: {  	v54 =	vld [tilespmem:s16+$0x50];
	[tilespmem:s17+$0x0 ss:$0x41] =	vst.msk $0xffff, v49  }
0x1e: {  	v55 =	vld [tilespmem:s16+$0x60];
	[tilespmem:s17+$0x410 ss:$0x41] =	vst.msk $0xffff, v50  }
0x1f: {  	v56 =	vld [tilespmem:s16+$0x70];
	[tilespmem:s17+$0x820 ss:$0x41] =	vst.msk $0xffff, v51  }
0x20: {  	[tilespmem:s17+$0xC30 ss:$0x41] =	vst.msk $0xffff, v52  }
0x21: {  	[tilespmem:s17+$0x1040 ss:$0x41] =	vst.msk $0xffff, v53  }
0x22: {  	s14 =	sshll.u32 s14, $0x12;
	s13 =	sshll.u32 s13, $0x4;
	[tilespmem:s17+$0x1450 ss:$0x41] =	vst.msk $0xffff, v54  }
0x23: {  	s13 =	sand.u32 $0x3F0, s13;
	s14 =	sadd.s32 s4, s14;
	[tilespmem:s17+$0x1860 ss:$0x41] =	vst.msk $0xffff, v55  }
0x24: {  	s13 =	sadd.s32 s13, s14;
	[tilespmem:s17+$0x1C70 ss:$0x41] =	vst.msk $0xffff, v56  }
0x25: {  	[hbm4b:s13+s8] =	stream.strided.scatter [tilespmem:s15], [sflag:$0x2], $0x4000, s9, s8, $0x18;
	[tilespmem:$0x10200] =	vst v63  }
.LBB1_5:
0x26: {  	s15 =	sadd.s32 $0x2, s10  }
0x27: {  	s13 =	sadd.s32 $0x10, s11;
	s17 =	smov.u32 s11;
	p2 =	sgt.s32 s15, $0x3F  }
0x28: {  	s17 =	smov.u32 @p2 s13  }
0x29: {  	s15 =	smov.u32 @p2 s3;
	p2 =	sgt.s32 s17, $0xF  }
0x2a: {  	s17 =	smov.u32 @p2 s1;
	p2 =	sne.s32 s12, s7  }
.Ltmp1:
0x2b: {  	p1 =	slt.u32 s12, $0x2;
	(pc) =	sbr.rel @!p2 .LBB1_6-.Ltmp1, $4  }
0x2c: {  	s16 =	simm.s32 @!p1 $0x2  }
0x2d: {  	s14 =	smov.u32 s11;
	p0 =	por !p0, !p0;
	_ =	swait.ge @!p1 [sflag:s16], $0x4000  }
0x2e: {  	s13 =	smov.u32 s10;
	[sflag:s16] =	ssyncset.done @!p1 $0x0;
	s10 =	smov.u32 s15  }
0x2f: {  	s12 =	sadd.s32 $0x1, s12;
	[sflag:s16] =	ssyncadd.s32 @!p1 $0xFFFFC000;
	s11 =	smov.u32 s17  }
.LBB1_1:
0x30: {  	p1 =	sge.u32 s12, s6  }
0x31: {  	s31 =	sadd.s32 $0xFFFFFFFF, s12;
	s15 =	sxor.u32 @!p1 $0xFFFFFFFF, s12;
	s16 =	sshll.u32 @!p1 s11, $0x11  }
0x32: {  	s17 =	sshll.u32 @!p1 s10, $0xB;
	s15 =	sshll.u32 @!p1 s15, $0xE;
	s16 =	sadd.s32 @!p1 s2, s16  }
0x33: {  	s15 =	sand.u32 @!p1 $0x4000, s15;
	s16 =	sadd.s32 @!p1 s17, s16;
	s17 =	simm.s32 @!p1 $0x0  }
0x34: {  	[tilespmem:s15], [sflag:$0x1] =	stream.linear.gather @!p1 [hbm4b:s16+s17], $0x4000, $0x38;
	[tilespmem:$0x10200] =	vst v63  }
0x35: {  	p1 =	sge.u32 s31, s6  }
.Ltmp2:
0x36: {  	_ = 	snop;
	(pc) =	sbr.rel @p1 .LBB1_5-.Ltmp2, $1  }
0x37: {  	_ =	sdelay $0x3  }
0x38: {  	s18 =	simm.s32 $0x0  }
0x39: {  	s17 =	sand.u32 $0x3800, s18;
	s19 =	sand.u32 $0x380, s18  }
0x3a: {  	s15 =	sand.u32 $0x1, s12;
	s17 =	sor.u32 s19, s17  }
0x3b: {  	_ =	swait.ge [sflag:s5], $0x4000;
	s16 =	sshll.u32 s15, $0xE;
	s19 =	sand.u32 $0x3B00, s17  }
0x3c: {  	[sflag:s5] =	ssyncset.done $0x0;
	s18 =	sand.u32 $0x80, s18;
	s19 =	sadd.s32 s19, s16  }
0x3d: {  	[sflag:s5] =	ssyncadd.s32 $0xFFFFC000;
	s21 =	sadd.s32 s18, s19  }
0x3e: {  	v4 =	vld [tilespmem:s21+$0x400]  }
0x3f: {  	s20 =	simm.s32 $0x1;
	v5 =	vld [tilespmem:s21+$0x0]  }
0x40: {  	s20 =	simm.s32 @!p0 $0x0;
	v6 =	vld [tilespmem:s21+$0x10]  }
0x41: {  	v0 =	vmov s16;
	s31 =	smul.u32 $0x10400, s20;
	v7 =	vld [tilespmem:s21+$0x20]  }
0x42: {  	v9 =	vld [tilespmem:s21+$0x30]  }
0x43: {  	s18 =	sshrl.u32 s31, $0x2;
	v10 =	vld [tilespmem:s21+$0x40]  }
0x44: {  	s18 =	sor.u32 $0x8000, s18;
	v11 =	vld [tilespmem:s21+$0x50]  }
0x45: {  	v8 =	vld [tilespmem:s21+$0x60];
	s19 =	sadd.s32 $0x0, s18  }
0x46: {  	v1 =	vld.idx.msk [tilespmem:v0+s17+$0x410 ss:$0x1], $0xffff;
	[tilespmem:s19+$0x2080 ss:$0x41] =	vst.msk $0xffff, v4  }
0x47: {  	v2 =	vld.idx.msk [tilespmem:v0+s17+$0x420 ss:$0x1], $0xffff;
	[tilespmem:s19+$0x0 ss:$0x41] =	vst.msk $0xffff, v5  }
0x48: {  	v3 =	vld.idx.msk [tilespmem:v0+s17+$0x430 ss:$0x1], $0xffff;
	[tilespmem:s19+$0x410 ss:$0x41] =	vst.msk $0xffff, v6  }
0x49: {  	s15 =	smul.u32 $0x10400, s15;
	[tilespmem:s19+$0x820 ss:$0x41] =	vst.msk $0xffff, v7;
	v7 =	vld [tilespmem:s21+$0x70]  }
0x4a: {  	s22 =	simm.s32 $0x100;
	s23 =	simm.s32 $0x8;
	[tilespmem:s19+$0xC30 ss:$0x41] =	vst.msk $0xffff, v9;
	v4 =	vld.idx.msk [tilespmem:v0+s17+$0x440 ss:$0x1], $0xffff  }
0x4b: {  	s24 =	sand.u32 $0x3800, s22;
	s15 =	sshrl.u32 s15, $0x2;
	[tilespmem:s19+$0x1040 ss:$0x41] =	vst.msk $0xffff, v10;
	v5 =	vld.idx.msk [tilespmem:v0+s17+$0x450 ss:$0x1], $0xffff;
	s21 =	simm.s32 $0x80  }
0x4c: {  	s20 =	simm.s32 $0x4;
	s15 =	sor.u32 $0x8000, s15;
	[tilespmem:s19+$0x1450 ss:$0x41] =	vst.msk $0xffff, v11;
	v6 =	vld.idx.msk [tilespmem:v0+s17+$0x460 ss:$0x1], $0xffff;
	s25 =	sand.u32 $0x380, s21  }
.LBB1_3:
0x4d: {  	p1 =	sne.s32 s23, $0xFC;
	[tilespmem:s19+$0x1860 ss:$0x41] =	vst.msk $0xffff, v8;
	v8 =	vld.idx.msk [tilespmem:v0+s17+$0x470 ss:$0x1], $0xffff;
	s17 =	sor.u32 s25, s24  }
0x4e: {  	s24 =	sand.u32 $0x3B00, s17;
	v9 =	vld.idx.msk [tilespmem:v0+s17+$0x410 ss:$0x1], $0xffff;
	[tilespmem:s19+$0x1C70 ss:$0x41] =	vst.msk $0xffff, v7  }
0x4f: {  	s25 =	sand.u32 $0x80, s21;
	s24 =	sadd.s32 s24, s16;
	v7 =	vld.idx.msk [tilespmem:v0+s17+$0x420 ss:$0x1], $0xffff;
	[tilespmem:s19+$0x2490 ss:$0x41] =	vst.msk $0xffff, v1  }
0x50: {  	s24 =	sadd.s32 s25, s24;
	v10 =	vld.idx.msk [tilespmem:v0+s17+$0x430 ss:$0x1], $0xffff;
	[tilespmem:s19+$0x28A0 ss:$0x41] =	vst.msk $0xffff, v2  }
0x51: {  	v11 =	vld [tilespmem:s24+$0x400];
	[tilespmem:s19+$0x2CB0 ss:$0x41] =	vst.msk $0xffff, v3  }
0x52: {  	v12 =	vld [tilespmem:s24+$0x0];
	[tilespmem:s19+$0x30C0 ss:$0x41] =	vst.msk $0xffff, v4  }
0x53: {  	v4 =	vld [tilespmem:s24+$0x10];
	[tilespmem:s19+$0x34D0 ss:$0x41] =	vst.msk $0xffff, v5  }
0x54: {  	s25 =	sshra.s32 s20, $0x2;
	s20 =	smov.u32 s23;
	v1 =	vmov v9;
	v5 =	vld [tilespmem:s24+$0x20];
	[tilespmem:s19+$0x38E0 ss:$0x41] =	vst.msk $0xffff, v6  }
0x55: {  	v2 =	vmov v7;
	v6 =	vld [tilespmem:s24+$0x30];
	[tilespmem:s19+$0x3CF0 ss:$0x41] =	vst.msk $0xffff, v8;
	s19 =	sadd.s32 s25, s18  }
0x56: {  	v3 =	vmov v10;
	v9 =	vld [tilespmem:s24+$0x40];
	[tilespmem:s19+$0x2080 ss:$0x41] =	vst.msk $0xffff, v11  }
0x57: {  	[tilespmem:s19+$0x0 ss:$0x41] =	vst.msk $0xffff, v12;
	v10 =	vld [tilespmem:s24+$0x50]  }
.Ltmp3:
0x58: {  	[tilespmem:s19+$0x410 ss:$0x41] =	vst.msk $0xffff, v4;
	v8 =	vld [tilespmem:s24+$0x60];
	(pc) =	sbr.rel @p1 .LBB1_3-.Ltmp3, $4  }
0x59: {  	[tilespmem:s19+$0x820 ss:$0x41] =	vst.msk $0xffff, v5;
	v7 =	vld [tilespmem:s24+$0x70]  }
0x5a: {  	[tilespmem:s19+$0xC30 ss:$0x41] =	vst.msk $0xffff, v6;
	v4 =	vld.idx.msk [tilespmem:v0+s17+$0x440 ss:$0x1], $0xffff  }
0x5b: {  	s21 =	sadd.s32 $0x80, s21;
	s22 =	sadd.s32 $0x100, s22;
	[tilespmem:s19+$0x1040 ss:$0x41] =	vst.msk $0xffff, v9;
	v5 =	vld.idx.msk [tilespmem:v0+s17+$0x450 ss:$0x1], $0xffff  }
0x5c: {  	s23 =	sadd.s32 $0x4, s23;
	s25 =	sand.u32 $0x380, s21;
	s24 =	sand.u32 $0x3800, s22;
	[tilespmem:s19+$0x1450 ss:$0x41] =	vst.msk $0xffff, v10;
	v6 =	vld.idx.msk [tilespmem:v0+s17+$0x460 ss:$0x1], $0xffff  }
.Ltmp4:
0x5d: {  	_ = 	snop;
	(pc) =	sbr.rel .LBB1_4-.Ltmp4, $1  }
0x5e: {  	_ =	sdelay $0x3  }
.LBB1_6:
0x5f: {  	_ =	sfence.sel $0x180000  }
0x60: {  	s2 =	simm.s32 $0x1;
	[bflag:$0x0] =	sbarrier.arrive $0xFFFF  }
0x61: {  	s31 =	simm.s32 $0x2;
	[sflag:s2] =	ssyncpa.u1 $0x1  }
0x62: {  	[sflag:s31] =	ssyncpa.u1 $0x1  }
0x63: {  	p0 =	sne.s32 s1, $0x0;
	_ =	strace $0x90000047  }
0x64: {  	s0 =	sadd.s32 @!p0 $0x100000, s0;
	[bflag:$0x2] =	sbarrier.arrive $0xFFFF  }
0x65: {  	[sflag:s0] =	ssyncadd.tile.s32 @!p0 $0x1;
	_ =	shalt  }
.Lfunc_end1:
_tile_overlayer_lowered:
.L_overlay_start_2:
0x66: {  	(tag) =	ssettag $0x2  }
0x67: {  	s0 =	rddreg [dreg:$0x0];
	s2 =	stileid.u32  }
0x68: {  	s1 =	rddreg [dreg:$0x1];
	p0 =	sne.s32 s2, $0x0  }
0x69: {  	s3 =	rddreg [dreg:$0x2];
	[bflag:$0x3] =	sbarrier.arrive $0xFFFF;
	s2 =	simm.s32 @!p0 $0x1C01  }
0x6a: {  	[timem:s3], [sflag:s2] =	dma.local @!p0 [hbm:s0], s1  }
0x6b: {  	s0 =	simm.s32 @!p0 $0x1  }
0x6c: {  	_ =	swait.ge @!p0 [sflag:s0], s1  }
0x6d: {  	s1 =	ssub.s32 @!p0 $0x0, s1;
	[sflag:s0] =	ssyncset.done @!p0 $0x0  }
0x6e: {  	[sflag:s0] =	ssyncadd.s32 @!p0 s1  }
0x6f: {  	[bflag:$0x3] =	sbarrier.arrive $0xFFFF  }
0x70: {  	_ =	shalt  }

// kernel: sparse-core-data-format-call.cloned.1.call-start
scs
called_computation_lowered:
.L_overlay_start_0:
0x0: {  	s2 =	sld [smem:$0x3FD9]  }
0x1: {  	s3 =	sld [smem:$0x3FFE];
	_ =	sdelay $0x1  }
0x2: {  	s1 =	srdreg.scid  }
0x3: {  	s0 =	sand.u32 $0x1, s1  }
0x4: {  	s18 =	sshll.u32 s0, $0xA;
	s2 =	sadd.s32 s3, s2  }
0x5: {  	s2 =	sadd.s32 s2, s18  }
0x6: {  	[smem:$0x3FC3] =	sst s2  }
0x7: {  	_ = 	snop  }
0x8: {  	s2 =	sld [smem:$0x3FD0];
	(tm) =	ssettm $0x1  }
0x9: {  	s19 =	sld [smem:$0x3FFB];
	_ =	sdelay $0x3  }
0xa: {  	_ =	strace s19  }
0xb: {  	s3 =	sld [smem:$0x3FFC];
	_ =	sdelay $0x3  }
0xc: {  	_ =	strace s3  }
0xd: {  	s3 =	sld [smem:$0x3FFD];
	_ =	sdelay $0x3  }
0xe: {  	_ =	strace s3  }
0xf: {  	_ =	strace $0x8FFFFFFF  }
0x10: {  	s20 =	sld [smem:$0x3FDB];
	_ =	sdelay $0x1  }
0x11: {  	s4 =	simm.s32 $_scs_section_size  }
0x12: {  	s5 =	simm.s32 $_size__tile_overlayer_lowered;
	s6 =	simm.s32 $_tile_overlayer_lowered  }
0x13: {  	s23 =	simm.s32 $0x1BFF;
	s22 =	sshll.u32 s6, $0x1;
	s3 =	sadd.s32 s4, s20  }
0x14: {  	s7 =	simm.s32 $0x0;
	s21 =	sshll.u32 s5, $0x1;
	s5 =	sadd.s32 s22, s3  }
0x15: {  	[timem:s7], [sflag:s23] =	dma.local [hbm:s5], s21  }
0x16: {  	_ =	swait.ge [sflag:s23], s21  }
0x17: {  	s4 =	ssub.s32 $0x0, s21;
	[sflag:s23] =	ssyncset.done $0x0  }
0x18: {  	[sflag:s23] =	ssyncadd.s32 s4;
	_ =	sdelay $0x1  }
0x19: {  	s24 =	simm.s32 $0x1B8B  }
0x1a: {  	_ =	swait.ge [sflag:s24], $0x1  }
0x1b: {  	[sflag:s24] =	ssyncset.done $0x0  }
0x1c: {  	s26 =	simm.s32 $0x1B8E;
	s25 =	sld [smem:$0x3FFE];
	[sflag:s24] =	ssyncadd.s32 $0xFFFFFFFF  }
0x1d: {  	s27 =	simm.s32 $execute0_lowered;
	[smem:$0x3FD2] =	sst s26  }
0x1e: {  	s5 =	sshll.u32 s27, $0x1;
	_ =	strace $0x80000049;
	[dreg:$0x1] =	wrdreg $0xFFFFFFFF  }
0x1f: {  	s28 =	simm.s32 $_size_execute0_lowered;
	s3 =	sadd.s32 s3, s5;
	[dreg:$0x0] =	wrdreg $0x0  }
0x20: {  	s5 =	sshll.u32 s28, $0x1;
	[dreg:$0x2] =	wrdreg s3  }
0x21: {  	[dreg:$0x3] =	wrdreg s5  }
0x22: {  	[dreg:$0x4] =	wrdreg $0xC0  }
0x23: {  	_ =	task [dreg:s7], $0x5FFFF  }
0x24: {  	[dreg:$0x1] =	wrdreg $0xFFFFFFFF  }
0x25: {  	[dreg:$0x0] =	wrdreg $0x60  }
0x26: {  	[dreg:$0x2] =	wrdreg s25  }
0x27: {  	[dreg:$0x3] =	wrdreg s2  }
0x28: {  	[dreg:$0x4] =	wrdreg $0x9  }
0x29: {  	_ =	task.clear_ibuf [dreg:s7], $0x5FFFF;
	_ =	strace $0x90000049  }
0x2a: {  	s29 =	simm.s32 $0x9;
	_ =	strace $0x8000004B  }
0x2b: {  	_ =	swait.ge [sflag:s29], $0x1  }
0x2c: {  	[sflag:s29] =	ssyncadd.s32 $0xFFFFFFFF  }
0x2d: {  	_ =	strace $0x9000004B  }
0x2e: {  	_ =	sfence  }
0x2f: {  	s30 =	sld [smem:$0x0];
	_ =	sdelay $0x2  }
0x30: {  	s31 =	sshll.u32 s1, $0xD;
	s1 =	sshrl.u32 s1, $0x2  }
0x31: {  	s3 =	sand.u32 $0x4000, s31;
	s1 =	sadd.s32 s1, s30  }
0x32: {  	s0 =	sor.u32 s3, s0;
	s1 =	sshll.u32 s1, $0x11  }
0x33: {  	s0 =	sor.u32 s1, s0  }
0x34: {  	s0 =	sadd.s32 $0x8F2B, s0  }
0x35: {  	[sflag:s0] =	ssyncadd.remote.s32 $0x1  }
0x36: {  	_ =	sfence.sel $0xFFFF  }
0x37: {  	[dreg:$0x0] =	wrdreg $0xFFFFFFFF;
	(pc) =	sbr.abs _section_cstart, $3  }
0x38: {  	[dreg:$0x1] =	wrdreg $0xFFFFFFFF  }
0x39: {  	_ =	task.clear_ibuf [dreg:s7], $0x2FFFF;
	_ =	strace $0x9FFFFFFF  }
0x3a: {  	(tm) =	ssettm $0x7FFFFFFF  }
0x3b: {  	_ =	shalt  }
tec
execute0_lowered:
.L_overlay_start_1:
0x0: {  	(tag) =	ssettag $0x1  }
0x1: {  	s6 =	rddreg [dreg:$0x0]  }
0x2: {  	s0 =	srdreg.scid;
	s2 =	rddreg [dreg:$0x1]  }
0x3: {  	s31 =	simm.s32 $0x2;
	s13 =	simm.s32 $0x0;
	s10 =	simm.s32 $0x0  }
0x4: {  	s14 =	simm.s32 $0x0;
	s11 =	stileid.u32;
	s1 =	sshll.u32 s0, $0x3  }
0x5: {  	s12 =	simm.s32 $0x0;
	s0 =	rddreg [dreg:$0x2];
	s3 =	sand.u32 $0x8, s1  }
0x6: {  	_ =	strace $0x8000004A;
	s1 =	stileid.u32;
	s4 =	ssub.s32 $0x10, s3  }
0x7: {  	s7 =	sshll.u32 s3, $0x8;
	s8 =	ssub.s32 $0x2B7, s1;
	s5 =	sshrl.u32 s4, $0x3  }
.Ltmp0:
0x8: {  	s9 =	sshrl.u32 s4, $0x4;
	s5 =	sand.u32 $0x1, s5;
	(pc) =	sbr.rel .LBB1_1-.Ltmp0, $4  }
0x9: {  	s4 =	simm.s32 $0x1;
	s8 =	sshrl.u32 s8, $0x4;
	s5 =	sadd.s32 s9, s5  }
0xa: {  	s6 =	sadd.s32 s7, s6;
	[sflag:s4] =	ssyncpa.u1 $0x0;
	s5 =	smul.u32 s8, s5  }
0xb: {  	s20 =	simm.s32 $0x0;
	s6 =	sadd.s32 $0x1000, s6;
	[sflag:s31] =	ssyncpa.u1 $0x0  }
0xc: {  	s9 =	simm.s32 $0x1000;
	s8 =	simm.s32 $0x800;
	s7 =	sadd.s32 $0x1, s5  }
.LBB1_7:
0xd: {  	s15 =	sadd.s32 $0x10, s11  }
0xe: {  	p1 =	sgt.s32 s15, $0x2A7  }
0xf: {  	s15 =	smov.u32 @p1 s1;
	p1 =	sne.s32 s12, s7  }
.Ltmp1:
0x10: {  	p0 =	slt.u32 s12, $0x2;
	(pc) =	sbr.rel @!p1 .LBB1_8-.Ltmp1, $4  }
0x11: {  	s13 =	simm.s32 @!p0 $0x2  }
0x12: {  	s16 =	sadd.s32 $0x1, s12;
	s14 =	smov.u32 s11;
	_ =	swait.ge @!p0 [sflag:s13], $0x4000  }
0x13: {  	s10 =	sadd.s32 $0x4000, s10;
	s12 =	smov.u32 s16;
	[sflag:s13] =	ssyncset.done @!p0 $0x0  }
0x14: {  	s11 =	smov.u32 s15;
	[sflag:s13] =	ssyncadd.s32 @!p0 $0xFFFFC000;
	s13 =	smov.u32 s3  }
.LBB1_1:
0x15: {  	p0 =	sge.u32 s12, s5  }
0x16: {  	s15 =	sxor.u32 @!p0 $0xFFFFFFFF, s12  }
0x17: {  	s31 =	sadd.s32 $0xFFFFFFFF, s12;
	s16 =	sshll.u32 @!p0 s11, $0xC;
	s15 =	sshll.u32 @!p0 s15, $0xE  }
0x18: {  	s17 =	simm.s32 @!p0 $0x0;
	s16 =	sadd.s32 @!p0 s16, s6;
	s15 =	sand.u32 @!p0 $0x4000, s15  }
0x19: {  	[tilespmem:s15], [sflag:$0x1] =	stream.linear.gather @!p0 [hbm4b:s16+s17], $0x4000, $0x38;
	[tilespmem:$0x10000] =	vst v63  }
0x1a: {  	p0 =	sge.u32 s31, s5  }
.Ltmp2:
0x1b: {  	_ = 	snop;
	(pc) =	sbr.rel @p0 .LBB1_7-.Ltmp2, $1  }
0x1c: {  	_ =	sdelay $0x3  }
0x1d: {  	s15 =	sshll.u32 s10, $0x2;
	_ =	swait.ge [sflag:s4], $0x4000;
	s16 =	sshll.u32 s12, $0xE  }
0x1e: {  	p0 =	por $0x0, $0x0;
	s21 =	simm.s32 $0x0;
	s22 =	simm.s32 $0x0  }
0x1f: {  	s15 =	sand.u32 $0x10000, s15;
	[sflag:s4] =	ssyncset.done $0x0;
	s18 =	sand.u32 $0x4000, s16  }
0x20: {  	s19 =	sshrl.u32 s15, $0x2;
	[sflag:s4] =	ssyncadd.s32 $0xFFFFC000;
	s16 =	sor.u32 $0x8000, s18  }
0x21: {  	s15 =	sor.u32 $0x40, s19;
	s17 =	sor.u32 $0x8410, s19;
	s19 =	sadd.s32 $0x8400, s19  }
.LBB1_3:
0x22: {  	v1 =	vld [tilespmem:s15+$0xFFFFFFD0]  }
0x23: {  	v2 =	vld [tilespmem:s15+$0x430]  }
0x24: {  	s23 =	sshll.u32 s22, $0xB;
	v4 =	vld [tilespmem:s15+$0xFFFFFFE0]  }
0x25: {  	v7 =	vld [tilespmem:s15+$0xFFFFFFF0];
	v0 =	vmov s23  }
0x26: {  	v8 =	vld [tilespmem:s15+$0x0]  }
0x27: {  	s30 =	sand.u32 $0x300, s20;
	v9 =	vld [tilespmem:s15+$0x10]  }
0x28: {  	s24 =	sand.u32 $0x80, s20;
	v10 =	vld [tilespmem:s15+$0x20];
	s23 =	sadd.s32 s30, s18  }
0x29: {  	v11 =	vld [tilespmem:s15+$0x30];
	s23 =	sadd.s32 s24, s23;
	s24 =	simm.s32 $0x1;
	[tilespmem:s17+$0x60] =	vst v2  }
0x2a: {  	s31 =	sshll.u32 s21, $0x2;
	s24 =	simm.s32 @!p0 $0x0;
	[tilespmem:s17+$0xFFFFFC00] =	vst v1;
	v3 =	vld.idx.msk [tilespmem:v0+s23+$0x400 ss:$0x1], $0xffff  }
0x2b: {  	v6 =	vld [tilespmem:s15+$0x3D0];
	s24 =	sshll.u32 s24, $0x9;
	[tilespmem:s17+$0xFFFFFC10] =	vst v4;
	s23 =	sand.u32 $0xFFFFFC00, s31  }
0x2c: {  	v5 =	vld [tilespmem:s15+$0x3E0];
	[tilespmem:s17+$0xFFFFFC20] =	vst v7;
	s23 =	sor.u32 s24, s23  }
0x2d: {  	[tilespmem:s17+$0xFFFFFC30] =	vst v8;
	v4 =	vld [tilespmem:s15+$0x400];
	s23 =	sshrl.u32 s23, $0x2  }
0x2e: {  	[tilespmem:s17+$0xFFFFFC40] =	vst v9;
	v1 =	vld [tilespmem:s15+$0x410];
	s23 =	sadd.s32 s23, s19  }
0x2f: {  	[tilespmem:s23+$0x0] =	vst v3;
	v3 =	vld [tilespmem:s15+$0x3F0]  }
0x30: {  	s27 =	simm.s32 $0x80;
	s26 =	simm.s32 $0x100;
	[tilespmem:s17+$0xFFFFFC50] =	vst v10;
	v2 =	vld [tilespmem:s15+$0x420]  }
0x31: {  	s25 =	smov.u32 s17;
	s28 =	sand.u32 $0x300, s27;
	v7 =	vld [tilespmem:s15+$0xFFFFFFC0];
	[tilespmem:s17+$0xFFFFFC60] =	vst v11;
	s24 =	sadd.s32 $0x80, s15  }
.LBB1_4:
0x32: {  	p1 =	sne.s32 s26, $0x380;
	v8 =	vld [tilespmem:s24+$0xFFFFFFD0];
	s27 =	sand.u32 $0x80, s27;
	s28 =	sadd.s32 s28, s18;
	[tilespmem:s25+$0x0] =	vst v6  }
0x33: {  	s28 =	sadd.s32 s27, s28;
	v6 =	vld [tilespmem:s24+$0x430];
	[tilespmem:s25+$0x10] =	vst v5;
	s27 =	smov.u32 s26  }
0x34: {  	v5 =	vld.idx.msk [tilespmem:v0+s28+$0x400 ss:$0x1], $0xffff;
	[tilespmem:s25+$0x20] =	vst v3  }
0x35: {  	v3 =	vld [tilespmem:s24+$0xFFFFFFE0];
	[tilespmem:s25+$0x30] =	vst v4  }
0x36: {  	v4 =	vld [tilespmem:s24+$0xFFFFFFF0];
	[tilespmem:s25+$0xFFFFFBF0] =	vst v7  }
0x37: {  	v7 =	vld [tilespmem:s24+$0x0];
	[tilespmem:s25+$0x40] =	vst v1  }
0x38: {  	v1 =	vld [tilespmem:s24+$0x10];
	[tilespmem:s25+$0x50] =	vst v2;
	s25 =	sadd.s32 $0x800, s25  }
0x39: {  	s23 =	sadd.s32 $0x800, s23;
	v2 =	vld [tilespmem:s24+$0x20];
	[tilespmem:s25+$0x60] =	vst v6  }
0x3a: {  	v9 =	vld [tilespmem:s24+$0x30];
	[tilespmem:s23+$0x0] =	vst v5  }
0x3b: {  	[tilespmem:s25+$0xFFFFFC00] =	vst v8;
	v6 =	vld [tilespmem:s24+$0x3D0]  }
0x3c: {  	[tilespmem:s25+$0xFFFFFC10] =	vst v3;
	v5 =	vld [tilespmem:s24+$0x3E0]  }
.Ltmp3:
0x3d: {  	[tilespmem:s25+$0xFFFFFC20] =	vst v4;
	v3 =	vld [tilespmem:s24+$0x3F0];
	(pc) =	sbr.rel @p1 .LBB1_4-.Ltmp3, $4  }
0x3e: {  	[tilespmem:s25+$0xFFFFFC30] =	vst v7;
	v4 =	vld [tilespmem:s24+$0x400]  }
0x3f: {  	[tilespmem:s25+$0xFFFFFC40] =	vst v1;
	v1 =	vld [tilespmem:s24+$0x410]  }
0x40: {  	[tilespmem:s25+$0xFFFFFC50] =	vst v2;
	v2 =	vld [tilespmem:s24+$0x420]  }
0x41: {  	s26 =	sadd.s32 $0x80, s26;
	s28 =	sand.u32 $0x300, s27;
	v7 =	vld [tilespmem:s24+$0xFFFFFFC0];
	[tilespmem:s25+$0xFFFFFC60] =	vst v9;
	s24 =	sadd.s32 $0x80, s24  }
0x42: {  	[tilespmem:s25+$0x0] =	vst v6  }
0x43: {  	[tilespmem:s25+$0x10] =	vst v5  }
0x44: {  	v49 =	vld [tilespmem:s24+$0x430];
	[tilespmem:s25+$0x20] =	vst v3  }
0x45: {  	v50 =	vld [tilespmem:s24+$0xFFFFFFD0];
	[tilespmem:s25+$0x30] =	vst v4  }
0x46: {  	v51 =	vld [tilespmem:s24+$0xFFFFFFE0];
	[tilespmem:s25+$0x40] =	vst v1  }
0x47: {  	v52 =	vld [tilespmem:s24+$0xFFFFFFF0];
	[tilespmem:s25+$0x50] =	vst v2  }
0x48: {  	s31 =	sadd.s32 $0x800, s25;
	v53 =	vld [tilespmem:s24+$0x0];
	[tilespmem:s25+$0xFFFFFBF0] =	vst v7  }
0x49: {  	v54 =	vld [tilespmem:s24+$0x10];
	[tilespmem:s31+$0x60] =	vst v49  }
0x4a: {  	v55 =	vld [tilespmem:s24+$0x20];
	[tilespmem:s31+$0xFFFFFC00] =	vst v50  }
0x4b: {  	v56 =	vld [tilespmem:s24+$0x30];
	[tilespmem:s31+$0xFFFFFC10] =	vst v51  }
0x4c: {  	v57 =	vld [tilespmem:s24+$0x3D0];
	[tilespmem:s31+$0xFFFFFC20] =	vst v52  }
0x4d: {  	v58 =	vld [tilespmem:s24+$0x3E0];
	[tilespmem:s31+$0xFFFFFC30] =	vst v53  }
0x4e: {  	v59 =	vld [tilespmem:s24+$0x3F0];
	[tilespmem:s31+$0xFFFFFC40] =	vst v54  }
0x4f: {  	v60 =	vld [tilespmem:s24+$0x400];
	[tilespmem:s31+$0xFFFFFC50] =	vst v55  }
0x50: {  	v61 =	vld [tilespmem:s24+$0xFFFFFFC0];
	[tilespmem:s31+$0xFFFFFC60] =	vst v56  }
0x51: {  	s26 =	sand.u32 $0x80, s27;
	s30 =	sadd.s32 s28, s18;
	v62 =	vld [tilespmem:s24+$0x410];
	[tilespmem:s31+$0x0] =	vst v57  }
0x52: {  	v63 =	vld [tilespmem:s24+$0x420];
	s22 =	sadd.s32 $0x1, s22;
	s26 =	sadd.s32 s26, s30;
	[tilespmem:s31+$0x10] =	vst v58  }
0x53: {  	p1 =	sne.s32 s22, $0x8;
	v0 =	vld.idx.msk [tilespmem:v0+s26+$0x400 ss:$0x1], $0xffff;
	[tilespmem:s31+$0x20] =	vst v59  }
.Ltmp4:
0x54: {  	[tilespmem:s31+$0x30] =	vst v60;
	(pc) =	sbr.rel @p1 .LBB1_3-.Ltmp4, $4  }
0x55: {  	[tilespmem:s31+$0xFFFFFBF0] =	vst v61  }
0x56: {  	[tilespmem:s31+$0x40] =	vst v62  }
0x57: {  	s23 =	sadd.s32 $0x800, s23;
	s15 =	sadd.s32 $0x800, s15;
	[tilespmem:s31+$0x50] =	vst v63  }
0x58: {  	s21 =	sadd.s32 $0x80, s21;
	p0 =	por !p0, !p0;
	s17 =	sadd.s32 $0x80, s17;
	[tilespmem:s23+$0x0] =	vst v0  }
.Ltmp5:
0x59: {  	(pc) =	sbr.rel .LBB1_7-.Ltmp5, $4  }
0x5a: {  	s14 =	sshll.u32 s14, $0xC  }
0x5b: {  	s13 =	sshll.u32 s13, $0x5;
	s14 =	sadd.s32 s2, s14  }
0x5c: {  	s13 =	sadd.s32 s13, s14  }
0x5d: {  	[hbm4b:s13+s8] =	stream.strided.scatter [tilespmem:s16], [sflag:$0x2], $0x4000, s9, s8, $0x38;
	[tilespmem:$0x10000] =	vst v63  }
.LBB1_8:
0x5e: {  	_ =	sfence.sel $0x180000  }
0x5f: {  	s2 =	simm.s32 $0x1;
	[bflag:$0x0] =	sbarrier.arrive $0xFFFF  }
0x60: {  	s31 =	simm.s32 $0x2;
	[sflag:s2] =	ssyncpa.u1 $0x1  }
0x61: {  	[sflag:s31] =	ssyncpa.u1 $0x1  }
0x62: {  	p0 =	sne.s32 s1, $0x0;
	_ =	strace $0x9000004A  }
0x63: {  	s0 =	sadd.s32 @!p0 $0x100000, s0;
	[bflag:$0x2] =	sbarrier.arrive $0xFFFF  }
0x64: {  	[sflag:s0] =	ssyncadd.tile.s32 @!p0 $0x1;
	_ =	shalt  }
.Lfunc_end1:
_tile_overlayer_lowered:
.L_overlay_start_2:
0x65: {  	(tag) =	ssettag $0x2  }
0x66: {  	s0 =	rddreg [dreg:$0x0];
	s2 =	stileid.u32  }
0x67: {  	s1 =	rddreg [dreg:$0x1];
	p0 =	sne.s32 s2, $0x0  }
0x68: {  	s3 =	rddreg [dreg:$0x2];
	[bflag:$0x3] =	sbarrier.arrive $0xFFFF;
	s2 =	simm.s32 @!p0 $0x1C01  }
0x69: {  	[timem:s3], [sflag:s2] =	dma.local @!p0 [hbm:s0], s1  }
0x6a: {  	s0 =	simm.s32 @!p0 $0x1  }
0x6b: {  	_ =	swait.ge @!p0 [sflag:s0], s1  }
0x6c: {  	s1 =	ssub.s32 @!p0 $0x0, s1;
	[sflag:s0] =	ssyncset.done @!p0 $0x0  }
0x6d: {  	[sflag:s0] =	ssyncadd.s32 @!p0 s1  }
0x6e: {  	[bflag:$0x3] =	sbarrier.arrive $0xFFFF  }
0x6f: {  	_ =	shalt  }

</sc_bundles>
